<compile_context>
chip_gen: v7x
topology: tpu7x:2x2x1
jax: 0.10.2.dev20260603
libtpu: 0.0.44.dev20260713+nightly
codegen_flags: <defaults>
</compile_context>

<pallas_src>
import functools

import jax
import jax.numpy as jnp
from jax import lax
from jax.experimental import pallas as pl
from jax.experimental.pallas import tpu as pltpu
from jax.experimental.pallas import tpu_sc as plsc

B, C = 16384, 1024
N = B * C
BINS = 10
NBIN = N // BINS
SCALE = NBIN - 0.0001
CE_SCALE = 32.0

NSUB = 16
HALF = N // 2
PER_TILE = HALF // NSUB
CHUNK = 4096
NCHUNK = PER_TILE // CHUNK

NBIN_PAD = ((NBIN + 2047) // 2048) * 2048
ZCH = NBIN_PAD // NSUB

PREP_ROWS = 256
PREP_BLK = PREP_ROWS * C


def _prep_body(x_ref, t_ref, bin_ref, w_ref):
    x = x_ref[...]
    t = t_ref[...]
    g = jnp.abs(x - t)
    ce = -(t * jnp.log(x) + (1.0 - t) * jnp.log(1.0 - x))
    ce_fx = jnp.floor(ce * CE_SCALE + 0.5).astype(jnp.int32)
    word = (ce_fx << 16) | 1
    bin_ref[...] = jnp.floor(g * SCALE).astype(jnp.int32).reshape(PREP_BLK)
    w_ref[...] = word.reshape(PREP_BLK)


_prep = pl.pallas_call(
    _prep_body,
    grid=(B // PREP_ROWS,),
    in_specs=[pl.BlockSpec((PREP_ROWS, C), lambda i: (i, 0)),
              pl.BlockSpec((PREP_ROWS, C), lambda i: (i, 0))],
    out_specs=[pl.BlockSpec((PREP_BLK,), lambda i: (i,)),
               pl.BlockSpec((PREP_BLK,), lambda i: (i,))],
    out_shape=[jax.ShapeDtypeStruct((N,), jnp.int32),
               jax.ShapeDtypeStruct((N,), jnp.int32)],
)


def _sc_hist_body(bin_hbm, w_hbm, zeros_hbm, h0_out, h1_out,
                  idx0, idx1, val0, val1, hist_sh, sem0, sem1):
    c = lax.axis_index("c")
    s = lax.axis_index("s")

    pltpu.sync_copy(zeros_hbm.at[pl.ds(s * ZCH, ZCH)],
                    hist_sh.at[pl.ds(s * ZCH, ZCH)])

    base0 = c * HALF + s * PER_TILE

    def start_in(j, idx_v, val_v, sem):
        @pl.when(j < NCHUNK)
        def _():
            pltpu.async_copy(bin_hbm.at[pl.ds(base0 + j * CHUNK, CHUNK)],
                             idx_v, sem)
            pltpu.async_copy(w_hbm.at[pl.ds(base0 + j * CHUNK, CHUNK)],
                             val_v, sem)

    def wait_in(j, idx_v, val_v, sem):
        pltpu.make_async_copy(bin_hbm.at[pl.ds(base0 + j * CHUNK, CHUNK)],
                              idx_v, sem).wait()
        pltpu.make_async_copy(w_hbm.at[pl.ds(base0 + j * CHUNK, CHUNK)],
                              val_v, sem).wait()

    plsc.subcore_barrier()
    start_in(0, idx0, val0, sem0)
    start_in(1, idx1, val1, sem1)

    def outer(i, carry):
        j0 = 2 * i
        for b, (idx_v, val_v, sem) in enumerate(((idx0, val0, sem0),
                                                 (idx1, val1, sem1))):
            j = j0 + b
            wait_in(j, idx_v, val_v, sem)
            pltpu.sync_copy(val_v, hist_sh.at[idx_v], add=True)
            start_in(j + 2, idx_v, val_v, sem)
        return carry

    lax.fori_loop(0, NCHUNK // 2, outer, 0)
    plsc.subcore_barrier()

    @pl.when(c == 0)
    def _():
        pltpu.sync_copy(hist_sh.at[pl.ds(s * ZCH, ZCH)],
                        h0_out.at[pl.ds(s * ZCH, ZCH)])

    @pl.when(c == 1)
    def _():
        pltpu.sync_copy(hist_sh.at[pl.ds(s * ZCH, ZCH)],
                        h1_out.at[pl.ds(s * ZCH, ZCH)])


_sc_hist = functools.partial(
    pl.kernel,
    mesh=plsc.VectorSubcoreMesh(core_axis_name="c", subcore_axis_name="s"),
    out_type=[jax.ShapeDtypeStruct((NBIN_PAD,), jnp.int32),
              jax.ShapeDtypeStruct((NBIN_PAD,), jnp.int32)],
    scratch_types=[
        pltpu.VMEM((CHUNK,), jnp.int32),
        pltpu.VMEM((CHUNK,), jnp.int32),
        pltpu.VMEM((CHUNK,), jnp.int32),
        pltpu.VMEM((CHUNK,), jnp.int32),
        pltpu.VMEM_SHARED((NBIN_PAD,), jnp.int32),
        pltpu.SemaphoreType.DMA,
        pltpu.SemaphoreType.DMA,
    ],
)(_sc_hist_body)


def _finish_body(h0_ref, h1_ref, out_ref):
    w0 = h0_ref[...]
    w1 = h1_ref[...]
    cnt = ((w0 & 0xFFFF) + (w1 & 0xFFFF)).astype(jnp.float32)
    ces = ((w0 >> 16) + (w1 >> 16)).astype(jnp.float32) * (1.0 / CE_SCALE)
    s1 = jnp.sum(ces / jnp.maximum(cnt, 1.0))
    nnz = jnp.sum((cnt > 0.0).astype(jnp.float32))
    out_ref[...] = jnp.full((1, 1), s1 / nnz, jnp.float32)


_finish = pl.pallas_call(
    _finish_body,
    out_shape=jax.ShapeDtypeStruct((1, 1), jnp.float32),
)


def kernel(x, target):
    bin2, w2 = _prep(x, target)
    zeros = jnp.zeros((NBIN_PAD,), jnp.int32)
    h0, h1 = _sc_hist(bin2, w2, zeros)
    out = _finish(h0.reshape(-1, 128), h1.reshape(-1, 128))
    return out[0, 0]

# --- scband reference (transcript-rebuilt; emitter-appended) ---
"""Pipeline reference for scband-ghm-loss-70970039599231 (READ-ONLY COPY).

The authoritative reference and input builder live on the scoring server;
editing this copy changes nothing except your own understanding.
"""

import jax, jax.numpy as jnp
import numpy as np


def setup_inputs(seed: int = 0) -> dict:
    key = jax.random.key(seed)
    k1, k2 = jax.random.split(key)
    B, C = 16384, 1024
    # x plays the role of predicted probabilities; keep strictly inside (0,1) so log() is finite
    x = jax.random.uniform(k1, (B, C), dtype=jnp.float32, minval=1e-4, maxval=1.0 - 1e-4)
    target = jax.random.uniform(k2, (B, C), dtype=jnp.float32)
    return {"x": x, "target": target}


def reference(x, target):
    # GHM_Loss.forward with bins=10, alpha=0.5, is_split_batch=False, is_evaluation=False
    bins = 10
    B = x.shape[0]
    C = x.shape[1]
    # g = |x.detach() - target|
    g = jnp.abs(jax.lax.stop_gradient(x) - target)
    N = B * C
    nbin = N // bins
    # _g2bin: floor(g * (bin - 0.0001)).long()
    bin_idx = jnp.floor(g * (nbin - 0.0001)).astype(jnp.int32)
    # histogram: bincount with minlength=nbin  (scatter-add)
    bin_count = jnp.bincount(bin_idx.reshape(-1), length=nbin)
    # bin_count *= (bin_count > 0).sum()
    bin_count = bin_count * (bin_count > 0).sum()
    # use_alpha is a no-op when not in evaluation mode
    gd = jnp.maximum(bin_count, 1)
    beta = N * 1.0 / gd.astype(jnp.float32)
    # weight = beta[bin_idx]  (gather)
    weight = jnp.take(beta, bin_idx, axis=0)
    los_pos = target * jnp.log(x)
    los_neg = (1.0 - target) * jnp.log(1.0 - x)
    loss = -(los_pos + los_neg)
    loss = loss * weight
    return loss.mean()

if __name__ == "__main__":
    import jax
    _d = setup_inputs()
    print(jax.jit(kernel)(*tuple(_d.values())))

</pallas_src>

<mosaic_0001>
#map = affine_map<(d0, d1) -> (0)>
module attributes {stable_mosaic.version = 14 : i64} {
  func.func @_sc_hist_body(%arg0: i32, %arg1: i32, %arg2: memref<16777216xi32, #tpu.memory_space<hbm>>, %arg3: memref<16777216xi32, #tpu.memory_space<hbm>>, %arg4: memref<1679360xi32, #tpu.memory_space<hbm>>, %arg5: memref<1679360xi32, #tpu.memory_space<hbm>>, %arg6: memref<1679360xi32, #tpu.memory_space<hbm>>, %arg7: memref<4096xi32, #tpu.memory_space<vmem>>, %arg8: memref<4096xi32, #tpu.memory_space<vmem>>, %arg9: memref<4096xi32, #tpu.memory_space<vmem>>, %arg10: memref<4096xi32, #tpu.memory_space<vmem>>, %arg11: memref<1679360xi32, #tpu.memory_space<vmem_shared>>, %arg12: memref<!tpu.dma_semaphore, #tpu.memory_space<semaphore_mem>>, %arg13: memref<!tpu.dma_semaphore, #tpu.memory_space<semaphore_mem>>) attributes {dimension_semantics = [#tpu.dimension_semantics<core_parallel>, #tpu.dimension_semantics<subcore_parallel>], iteration_bounds = array<i64: 2, 16>, scalar_prefetch = 0 : i64, scratch_operands = 7 : i64, tpu.core_type = #tpu.core_type<sc_vector_subcore>, window_params = [{transform_indices = #map}, {transform_indices = #map}, {transform_indices = #map}, {transform_indices = #map}, {transform_indices = #map}]} {
    %mul3A = arith.constant 104960 : i32
    %mul3A_0 = arith.muli %arg1, %mul3A : i32
    %mul3A_1 = arith.constant 104960 : i32
    %mul3A_2 = arith.muli %arg1, %mul3A_1 : i32
    "tpu.region"() ({
      %run_scoped3A = tpu.sem_alloc : memref<!tpu.dma_semaphore, #tpu.memory_space<semaphore_mem>>
      %dma_start3A_35 = tpu.memref_slice %arg11[%mul3A_2] : memref<1679360xi32, #tpu.memory_space<vmem_shared>> -> memref<104960xi32, #tpu.memory_space<vmem_shared>>
      %dma_start3A_36 = tpu.memref_slice %arg4[%mul3A_0] : memref<1679360xi32, #tpu.memory_space<hbm>> -> memref<104960xi32, #tpu.memory_space<hbm>>
      tpu.enqueue_dma source(%dma_start3A_36 : memref<104960xi32, #tpu.memory_space<hbm>>) target(%dma_start3A_35 : memref<104960xi32, #tpu.memory_space<vmem_shared>>) target_semaphore(%run_scoped3A : memref<!tpu.dma_semaphore, #tpu.memory_space<semaphore_mem>>)
      %dma_wait3A = tpu.memref_slice %arg11[%mul3A_2] : memref<1679360xi32, #tpu.memory_space<vmem_shared>> -> memref<104960xi32, #tpu.memory_space<vmem_shared>>
      %dma_wait3A_37 = tpu.memref_slice %arg4[%mul3A_0] : memref<1679360xi32, #tpu.memory_space<hbm>> -> memref<104960xi32, #tpu.memory_space<hbm>>
      tpu.wait_dma2 semaphore(%run_scoped3A : memref<!tpu.dma_semaphore, #tpu.memory_space<semaphore_mem>>) src(%dma_wait3A_37 : memref<104960xi32, #tpu.memory_space<hbm>>) dst(%dma_wait3A : memref<104960xi32, #tpu.memory_space<vmem_shared>>)
      tpu.yield
    }) : () -> ()
    %mul3A_3 = arith.constant 8388608 : i32
    %mul3A_4 = arith.muli %arg0, %mul3A_3 : i32
    %mul3A_5 = arith.constant 524288 : i32
    %mul3A_6 = arith.muli %arg1, %mul3A_5 : i32
    %add3A = arith.addi %mul3A_4, %mul3A_6 : i32
    %barrier3A = arith.constant 0 : index
    tpu.barrier barrier_id(%barrier3A)
    %add3A_7 = arith.constant 0 : i32
    %add3A_8 = arith.addi %add3A, %add3A_7 : i32
    %dma_start3A = tpu.memref_slice %arg2[%add3A_8] : memref<16777216xi32, #tpu.memory_space<hbm>> -> memref<4096xi32, #tpu.memory_space<hbm>>
    %dma_start3A_9 = tpu.memref_slice %arg2[%add3A_8] : memref<16777216xi32, #tpu.memory_space<hbm>> -> memref<4096xi32, #tpu.memory_space<hbm>>
    tpu.enqueue_dma source(%dma_start3A_9 : memref<4096xi32, #tpu.memory_space<hbm>>) target(%arg7 : memref<4096xi32, #tpu.memory_space<vmem>>) target_semaphore(%arg12 : memref<!tpu.dma_semaphore, #tpu.memory_space<semaphore_mem>>)
    %add3A_10 = arith.constant 0 : i32
    %add3A_11 = arith.addi %add3A, %add3A_10 : i32
    %dma_start3A_12 = tpu.memref_slice %arg3[%add3A_11] : memref<16777216xi32, #tpu.memory_space<hbm>> -> memref<4096xi32, #tpu.memory_space<hbm>>
    %dma_start3A_13 = tpu.memref_slice %arg3[%add3A_11] : memref<16777216xi32, #tpu.memory_space<hbm>> -> memref<4096xi32, #tpu.memory_space<hbm>>
    tpu.enqueue_dma source(%dma_start3A_13 : memref<4096xi32, #tpu.memory_space<hbm>>) target(%arg9 : memref<4096xi32, #tpu.memory_space<vmem>>) target_semaphore(%arg12 : memref<!tpu.dma_semaphore, #tpu.memory_space<semaphore_mem>>)
    %add3A_14 = arith.constant 4096 : i32
    %add3A_15 = arith.addi %add3A, %add3A_14 : i32
    %dma_start3A_16 = tpu.memref_slice %arg2[%add3A_15] : memref<16777216xi32, #tpu.memory_space<hbm>> -> memref<4096xi32, #tpu.memory_space<hbm>>
    %dma_start3A_17 = tpu.memref_slice %arg2[%add3A_15] : memref<16777216xi32, #tpu.memory_space<hbm>> -> memref<4096xi32, #tpu.memory_space<hbm>>
    tpu.enqueue_dma source(%dma_start3A_17 : memref<4096xi32, #tpu.memory_space<hbm>>) target(%arg8 : memref<4096xi32, #tpu.memory_space<vmem>>) target_semaphore(%arg13 : memref<!tpu.dma_semaphore, #tpu.memory_space<semaphore_mem>>)
    %add3A_18 = arith.constant 4096 : i32
    %add3A_19 = arith.addi %add3A, %add3A_18 : i32
    %dma_start3A_20 = tpu.memref_slice %arg3[%add3A_19] : memref<16777216xi32, #tpu.memory_space<hbm>> -> memref<4096xi32, #tpu.memory_space<hbm>>
    %dma_start3A_21 = tpu.memref_slice %arg3[%add3A_19] : memref<16777216xi32, #tpu.memory_space<hbm>> -> memref<4096xi32, #tpu.memory_space<hbm>>
    tpu.enqueue_dma source(%dma_start3A_21 : memref<4096xi32, #tpu.memory_space<hbm>>) target(%arg10 : memref<4096xi32, #tpu.memory_space<vmem>>) target_semaphore(%arg13 : memref<!tpu.dma_semaphore, #tpu.memory_space<semaphore_mem>>)
    %scan3A = arith.constant 0 : i32
    %scan3A_22 = arith.constant 0 : i32
    %scan3A_23 = arith.constant 64 : i32
    %scan3A_24 = arith.addi %scan3A_22, %scan3A_23 : i32
    %scan3A_25 = arith.constant 1 : i32
    scf.for %scan3A_35 = %scan3A_22 to %scan3A_24 step %scan3A_25  : i32 {
      %mul3A_36 = arith.constant 2 : i32
      %mul3A_37 = arith.muli %mul3A_36, %scan3A_35 : i32
      %add3A_38 = arith.constant 0 : i32
      %add3A_39 = arith.addi %mul3A_37, %add3A_38 : i32
      %mul3A_40 = arith.constant 4096 : i32
      %mul3A_41 = arith.muli %add3A_39, %mul3A_40 : i32
      %add3A_42 = arith.addi %add3A, %mul3A_41 : i32
      %dma_wait3A = tpu.memref_slice %arg2[%add3A_42] : memref<16777216xi32, #tpu.memory_space<hbm>> -> memref<4096xi32, #tpu.memory_space<hbm>>
      %dma_wait3A_43 = tpu.memref_slice %arg2[%add3A_42] : memref<16777216xi32, #tpu.memory_space<hbm>> -> memref<4096xi32, #tpu.memory_space<hbm>>
      tpu.wait_dma2 semaphore(%arg12 : memref<!tpu.dma_semaphore, #tpu.memory_space<semaphore_mem>>) src(%dma_wait3A_43 : memref<4096xi32, #tpu.memory_space<hbm>>) dst(%arg7 : memref<4096xi32, #tpu.memory_space<vmem>>)
      %mul3A_44 = arith.constant 4096 : i32
      %mul3A_45 = arith.muli %add3A_39, %mul3A_44 : i32
      %add3A_46 = arith.addi %add3A, %mul3A_45 : i32
      %dma_wait3A_47 = tpu.memref_slice %arg3[%add3A_46] : memref<16777216xi32, #tpu.memory_space<hbm>> -> memref<4096xi32, #tpu.memory_space<hbm>>
      %dma_wait3A_48 = tpu.memref_slice %arg3[%add3A_46] : memref<16777216xi32, #tpu.memory_space<hbm>> -> memref<4096xi32, #tpu.memory_space<hbm>>
      tpu.wait_dma2 semaphore(%arg12 : memref<!tpu.dma_semaphore, #tpu.memory_space<semaphore_mem>>) src(%dma_wait3A_48 : memref<4096xi32, #tpu.memory_space<hbm>>) dst(%arg9 : memref<4096xi32, #tpu.memory_space<vmem>>)
      "tpu.region"() ({
        %run_scoped3A = tpu.sem_alloc : memref<!tpu.dma_semaphore, #tpu.memory_space<semaphore_mem>>
        %dma_start3A_74 = arith.constant 0 : i32
        %dma_start3A_75 = tpu.memref_slice %arg11[%dma_start3A_74] : memref<1679360xi32, #tpu.memory_space<vmem_shared>> -> memref<1679360xi32, #tpu.memory_space<vmem_shared>>
        tpu.enqueue_indirect_dma source(%arg9 : memref<4096xi32, #tpu.memory_space<vmem>>) target(%dma_start3A_75 : memref<1679360xi32, #tpu.memory_space<vmem_shared>>) offsets(%arg7 : memref<4096xi32, #tpu.memory_space<vmem>>) semaphore(%run_scoped3A : memref<!tpu.dma_semaphore, #tpu.memory_space<semaphore_mem>>) {add = true}
        %dma_wait3A_76 = arith.constant 0 : i32
        %dma_wait3A_77 = tpu.memref_slice %arg11[%dma_wait3A_76] : memref<1679360xi32, #tpu.memory_space<vmem_shared>> -> memref<1679360xi32, #tpu.memory_space<vmem_shared>>
        tpu.wait_indirect_dma semaphore(%run_scoped3A : memref<!tpu.dma_semaphore, #tpu.memory_space<semaphore_mem>>) src(%arg9 : memref<4096xi32, #tpu.memory_space<vmem>>) dst(%dma_wait3A_77 : memref<1679360xi32, #tpu.memory_space<vmem_shared>>)
        tpu.yield
      }) : () -> ()
      %add3A_49 = arith.constant 2 : i32
      %add3A_50 = arith.addi %add3A_39, %add3A_49 : i32
      %lt3A = arith.constant 128 : i32
      %lt3A_51 = arith.cmpi slt, %add3A_50, %lt3A : i32
      %convert_element_type3A_52 = arith.extui %lt3A_51 : i1 to i32
      %cond3A_53 = arith.constant 0 : i32
      %cond3A_54 = arith.cmpi ne, %convert_element_type3A_52, %cond3A_53 : i32
      scf.if %cond3A_54 {
        %mul3A_74 = arith.constant 4096 : i32
        %mul3A_75 = arith.muli %add3A_50, %mul3A_74 : i32
        %add3A_76 = arith.addi %add3A, %mul3A_75 : i32
        %dma_start3A_77 = tpu.memref_slice %arg2[%add3A_76] : memref<16777216xi32, #tpu.memory_space<hbm>> -> memref<4096xi32, #tpu.memory_space<hbm>>
        %dma_start3A_78 = tpu.memref_slice %arg2[%add3A_76] : memref<16777216xi32, #tpu.memory_space<hbm>> -> memref<4096xi32, #tpu.memory_space<hbm>>
        tpu.enqueue_dma source(%dma_start3A_78 : memref<4096xi32, #tpu.memory_space<hbm>>) target(%arg7 : memref<4096xi32, #tpu.memory_space<vmem>>) target_semaphore(%arg12 : memref<!tpu.dma_semaphore, #tpu.memory_space<semaphore_mem>>)
        %mul3A_79 = arith.constant 4096 : i32
        %mul3A_80 = arith.muli %add3A_50, %mul3A_79 : i32
        %add3A_81 = arith.addi %add3A, %mul3A_80 : i32
        %dma_start3A_82 = tpu.memref_slice %arg3[%add3A_81] : memref<16777216xi32, #tpu.memory_space<hbm>> -> memref<4096xi32, #tpu.memory_space<hbm>>
        %dma_start3A_83 = tpu.memref_slice %arg3[%add3A_81] : memref<16777216xi32, #tpu.memory_space<hbm>> -> memref<4096xi32, #tpu.memory_space<hbm>>
        tpu.enqueue_dma source(%dma_start3A_83 : memref<4096xi32, #tpu.memory_space<hbm>>) target(%arg9 : memref<4096xi32, #tpu.memory_space<vmem>>) target_semaphore(%arg12 : memref<!tpu.dma_semaphore, #tpu.memory_space<semaphore_mem>>)
      } else {
      }
      %add3A_55 = arith.constant 1 : i32
      %add3A_56 = arith.addi %mul3A_37, %add3A_55 : i32
      %mul3A_57 = arith.constant 4096 : i32
      %mul3A_58 = arith.muli %add3A_56, %mul3A_57 : i32
      %add3A_59 = arith.addi %add3A, %mul3A_58 : i32
      %dma_wait3A_60 = tpu.memref_slice %arg2[%add3A_59] : memref<16777216xi32, #tpu.memory_space<hbm>> -> memref<4096xi32, #tpu.memory_space<hbm>>
      %dma_wait3A_61 = tpu.memref_slice %arg2[%add3A_59] : memref<16777216xi32, #tpu.memory_space<hbm>> -> memref<4096xi32, #tpu.memory_space<hbm>>
      tpu.wait_dma2 semaphore(%arg13 : memref<!tpu.dma_semaphore, #tpu.memory_space<semaphore_mem>>) src(%dma_wait3A_61 : memref<4096xi32, #tpu.memory_space<hbm>>) dst(%arg8 : memref<4096xi32, #tpu.memory_space<vmem>>)
      %mul3A_62 = arith.constant 4096 : i32
      %mul3A_63 = arith.muli %add3A_56, %mul3A_62 : i32
      %add3A_64 = arith.addi %add3A, %mul3A_63 : i32
      %dma_wait3A_65 = tpu.memref_slice %arg3[%add3A_64] : memref<16777216xi32, #tpu.memory_space<hbm>> -> memref<4096xi32, #tpu.memory_space<hbm>>
      %dma_wait3A_66 = tpu.memref_slice %arg3[%add3A_64] : memref<16777216xi32, #tpu.memory_space<hbm>> -> memref<4096xi32, #tpu.memory_space<hbm>>
      tpu.wait_dma2 semaphore(%arg13 : memref<!tpu.dma_semaphore, #tpu.memory_space<semaphore_mem>>) src(%dma_wait3A_66 : memref<4096xi32, #tpu.memory_space<hbm>>) dst(%arg10 : memref<4096xi32, #tpu.memory_space<vmem>>)
      "tpu.region"() ({
        %run_scoped3A = tpu.sem_alloc : memref<!tpu.dma_semaphore, #tpu.memory_space<semaphore_mem>>
        %dma_start3A_74 = arith.constant 0 : i32
        %dma_start3A_75 = tpu.memref_slice %arg11[%dma_start3A_74] : memref<1679360xi32, #tpu.memory_space<vmem_shared>> -> memref<1679360xi32, #tpu.memory_space<vmem_shared>>
        tpu.enqueue_indirect_dma source(%arg10 : memref<4096xi32, #tpu.memory_space<vmem>>) target(%dma_start3A_75 : memref<1679360xi32, #tpu.memory_space<vmem_shared>>) offsets(%arg8 : memref<4096xi32, #tpu.memory_space<vmem>>) semaphore(%run_scoped3A : memref<!tpu.dma_semaphore, #tpu.memory_space<semaphore_mem>>) {add = true}
        %dma_wait3A_76 = arith.constant 0 : i32
        %dma_wait3A_77 = tpu.memref_slice %arg11[%dma_wait3A_76] : memref<1679360xi32, #tpu.memory_space<vmem_shared>> -> memref<1679360xi32, #tpu.memory_space<vmem_shared>>
        tpu.wait_indirect_dma semaphore(%run_scoped3A : memref<!tpu.dma_semaphore, #tpu.memory_space<semaphore_mem>>) src(%arg10 : memref<4096xi32, #tpu.memory_space<vmem>>) dst(%dma_wait3A_77 : memref<1679360xi32, #tpu.memory_space<vmem_shared>>)
        tpu.yield
      }) : () -> ()
      %add3A_67 = arith.constant 2 : i32
      %add3A_68 = arith.addi %add3A_56, %add3A_67 : i32
      %lt3A_69 = arith.constant 128 : i32
      %lt3A_70 = arith.cmpi slt, %add3A_68, %lt3A_69 : i32
      %convert_element_type3A_71 = arith.extui %lt3A_70 : i1 to i32
      %cond3A_72 = arith.constant 0 : i32
      %cond3A_73 = arith.cmpi ne, %convert_element_type3A_71, %cond3A_72 : i32
      scf.if %cond3A_73 {
        %mul3A_74 = arith.constant 4096 : i32
        %mul3A_75 = arith.muli %add3A_68, %mul3A_74 : i32
        %add3A_76 = arith.addi %add3A, %mul3A_75 : i32
        %dma_start3A_77 = tpu.memref_slice %arg2[%add3A_76] : memref<16777216xi32, #tpu.memory_space<hbm>> -> memref<4096xi32, #tpu.memory_space<hbm>>
        %dma_start3A_78 = tpu.memref_slice %arg2[%add3A_76] : memref<16777216xi32, #tpu.memory_space<hbm>> -> memref<4096xi32, #tpu.memory_space<hbm>>
        tpu.enqueue_dma source(%dma_start3A_78 : memref<4096xi32, #tpu.memory_space<hbm>>) target(%arg8 : memref<4096xi32, #tpu.memory_space<vmem>>) target_semaphore(%arg13 : memref<!tpu.dma_semaphore, #tpu.memory_space<semaphore_mem>>)
        %mul3A_79 = arith.constant 4096 : i32
        %mul3A_80 = arith.muli %add3A_68, %mul3A_79 : i32
        %add3A_81 = arith.addi %add3A, %mul3A_80 : i32
        %dma_start3A_82 = tpu.memref_slice %arg3[%add3A_81] : memref<16777216xi32, #tpu.memory_space<hbm>> -> memref<4096xi32, #tpu.memory_space<hbm>>
        %dma_start3A_83 = tpu.memref_slice %arg3[%add3A_81] : memref<16777216xi32, #tpu.memory_space<hbm>> -> memref<4096xi32, #tpu.memory_space<hbm>>
        tpu.enqueue_dma source(%dma_start3A_83 : memref<4096xi32, #tpu.memory_space<hbm>>) target(%arg10 : memref<4096xi32, #tpu.memory_space<vmem>>) target_semaphore(%arg13 : memref<!tpu.dma_semaphore, #tpu.memory_space<semaphore_mem>>)
      } else {
      }
    }
    %scan3A_26 = arith.constant 64 : i32
    %barrier3A_27 = arith.constant 0 : index
    tpu.barrier barrier_id(%barrier3A_27)
    %eq3A = arith.constant 0 : i32
    %eq3A_28 = arith.cmpi eq, %arg0, %eq3A : i32
    %convert_element_type3A = arith.extui %eq3A_28 : i1 to i32
    %cond3A = arith.constant 0 : i32
    %cond3A_29 = arith.cmpi ne, %convert_element_type3A, %cond3A : i32
    scf.if %cond3A_29 {
      %mul3A_35 = arith.constant 104960 : i32
      %mul3A_36 = arith.muli %arg1, %mul3A_35 : i32
      %mul3A_37 = arith.constant 104960 : i32
      %mul3A_38 = arith.muli %arg1, %mul3A_37 : i32
      "tpu.region"() ({
        %run_scoped3A = tpu.sem_alloc : memref<!tpu.dma_semaphore, #tpu.memory_space<semaphore_mem>>
        %dma_start3A_39 = tpu.memref_slice %arg5[%mul3A_38] : memref<1679360xi32, #tpu.memory_space<hbm>> -> memref<104960xi32, #tpu.memory_space<hbm>>
        %dma_start3A_40 = tpu.memref_slice %arg11[%mul3A_36] : memref<1679360xi32, #tpu.memory_space<vmem_shared>> -> memref<104960xi32, #tpu.memory_space<vmem_shared>>
        tpu.enqueue_dma source(%dma_start3A_40 : memref<104960xi32, #tpu.memory_space<vmem_shared>>) target(%dma_start3A_39 : memref<104960xi32, #tpu.memory_space<hbm>>) target_semaphore(%run_scoped3A : memref<!tpu.dma_semaphore, #tpu.memory_space<semaphore_mem>>)
        %dma_wait3A = tpu.memref_slice %arg5[%mul3A_38] : memref<1679360xi32, #tpu.memory_space<hbm>> -> memref<104960xi32, #tpu.memory_space<hbm>>
        %dma_wait3A_41 = tpu.memref_slice %arg11[%mul3A_36] : memref<1679360xi32, #tpu.memory_space<vmem_shared>> -> memref<104960xi32, #tpu.memory_space<vmem_shared>>
        tpu.wait_dma2 semaphore(%run_scoped3A : memref<!tpu.dma_semaphore, #tpu.memory_space<semaphore_mem>>) src(%dma_wait3A_41 : memref<104960xi32, #tpu.memory_space<vmem_shared>>) dst(%dma_wait3A : memref<104960xi32, #tpu.memory_space<hbm>>)
        tpu.yield
      }) : () -> ()
    } else {
    }
    %eq3A_30 = arith.constant 1 : i32
    %eq3A_31 = arith.cmpi eq, %arg0, %eq3A_30 : i32
    %convert_element_type3A_32 = arith.extui %eq3A_31 : i1 to i32
    %cond3A_33 = arith.constant 0 : i32
    %cond3A_34 = arith.cmpi ne, %convert_element_type3A_32, %cond3A_33 : i32
    scf.if %cond3A_34 {
      %mul3A_35 = arith.constant 104960 : i32
      %mul3A_36 = arith.muli %arg1, %mul3A_35 : i32
      %mul3A_37 = arith.constant 104960 : i32
      %mul3A_38 = arith.muli %arg1, %mul3A_37 : i32
      "tpu.region"() ({
        %run_scoped3A = tpu.sem_alloc : memref<!tpu.dma_semaphore, #tpu.memory_space<semaphore_mem>>
        %dma_start3A_39 = tpu.memref_slice %arg6[%mul3A_38] : memref<1679360xi32, #tpu.memory_space<hbm>> -> memref<104960xi32, #tpu.memory_space<hbm>>
        %dma_start3A_40 = tpu.memref_slice %arg11[%mul3A_36] : memref<1679360xi32, #tpu.memory_space<vmem_shared>> -> memref<104960xi32, #tpu.memory_space<vmem_shared>>
        tpu.enqueue_dma source(%dma_start3A_40 : memref<104960xi32, #tpu.memory_space<vmem_shared>>) target(%dma_start3A_39 : memref<104960xi32, #tpu.memory_space<hbm>>) target_semaphore(%run_scoped3A : memref<!tpu.dma_semaphore, #tpu.memory_space<semaphore_mem>>)
        %dma_wait3A = tpu.memref_slice %arg6[%mul3A_38] : memref<1679360xi32, #tpu.memory_space<hbm>> -> memref<104960xi32, #tpu.memory_space<hbm>>
        %dma_wait3A_41 = tpu.memref_slice %arg11[%mul3A_36] : memref<1679360xi32, #tpu.memory_space<vmem_shared>> -> memref<104960xi32, #tpu.memory_space<vmem_shared>>
        tpu.wait_dma2 semaphore(%run_scoped3A : memref<!tpu.dma_semaphore, #tpu.memory_space<semaphore_mem>>) src(%dma_wait3A_41 : memref<104960xi32, #tpu.memory_space<vmem_shared>>) dst(%dma_wait3A : memref<104960xi32, #tpu.memory_space<hbm>>)
        tpu.yield
      }) : () -> ()
    } else {
    }
    return
  }
}

module attributes {stable_mosaic.version = 14 : i64} {
  func.func @_finish_body(%arg0: memref<13120x128xi32, #tpu.memory_space<vmem>>, %arg1: memref<13120x128xi32, #tpu.memory_space<vmem>>, %arg2: memref<1x1xf32, #tpu.memory_space<vmem>>) attributes {dimension_semantics = [], scalar_prefetch = 0 : i64, scratch_operands = 0 : i64, tpu.core_type = #tpu.core_type<tc>} {
    %get3A = arith.constant 0 : index
    %get3A_0 = arith.constant 0 : index
    %get3A_1 = vector.load %arg0[%get3A, %get3A_0] : memref<13120x128xi32, #tpu.memory_space<vmem>>, vector<13120x128xi32>
    %get3A_2 = arith.constant 0 : index
    %get3A_3 = arith.constant 0 : index
    %get3A_4 = vector.load %arg1[%get3A_2, %get3A_3] : memref<13120x128xi32, #tpu.memory_space<vmem>>, vector<13120x128xi32>
    %and3A = arith.constant 65535 : i32
    %and3A_5 = vector.broadcast %and3A : i32 to vector<13120x128xi32>
    %and3A_6 = arith.andi %get3A_1, %and3A_5 : vector<13120x128xi32>
    %and3A_7 = arith.constant 65535 : i32
    %and3A_8 = vector.broadcast %and3A_7 : i32 to vector<13120x128xi32>
    %and3A_9 = arith.andi %get3A_4, %and3A_8 : vector<13120x128xi32>
    %add3A = arith.addi %and3A_6, %and3A_9 : vector<13120x128xi32>
    %convert_element_type3A = arith.sitofp %add3A : vector<13120x128xi32> to vector<13120x128xf32>
    %shift_right_arithmetic3A = arith.constant 16 : i32
    %shift_right_arithmetic3A_10 = vector.broadcast %shift_right_arithmetic3A : i32 to vector<13120x128xi32>
    %shift_right_arithmetic3A_11 = arith.shrsi %get3A_1, %shift_right_arithmetic3A_10 : vector<13120x128xi32>
    %shift_right_arithmetic3A_12 = arith.constant 16 : i32
    %shift_right_arithmetic3A_13 = vector.broadcast %shift_right_arithmetic3A_12 : i32 to vector<13120x128xi32>
    %shift_right_arithmetic3A_14 = arith.shrsi %get3A_4, %shift_right_arithmetic3A_13 : vector<13120x128xi32>
    %add3A_15 = arith.addi %shift_right_arithmetic3A_11, %shift_right_arithmetic3A_14 : vector<13120x128xi32>
    %convert_element_type3A_16 = arith.sitofp %add3A_15 : vector<13120x128xi32> to vector<13120x128xf32>
    %mul3A = arith.constant 3.125000e-02 : f32
    %mul3A_17 = vector.broadcast %mul3A : f32 to vector<13120x128xf32>
    %mul3A_18 = arith.mulf %convert_element_type3A_16, %mul3A_17 : vector<13120x128xf32>
    %max3A = arith.constant 1.000000e+00 : f32
    %max3A_19 = vector.broadcast %max3A : f32 to vector<13120x128xf32>
    %max3A_20 = arith.maximumf %convert_element_type3A, %max3A_19 : vector<13120x128xf32>
    %div3A = arith.divf %mul3A_18, %max3A_20 : vector<13120x128xf32>
    %reduce_sum3A = vector.shape_cast %div3A : vector<13120x128xf32> to vector<1x13120x128xf32>
    %reduce_sum3A_21 = arith.constant dense<0.000000e+00> : vector<1xf32>
    %reduce_sum3A_22 = vector.multi_reduction <add>, %reduce_sum3A, %reduce_sum3A_21 [1, 2] : vector<1x13120x128xf32> to vector<1xf32>
    %reduce_sum3A_23 = vector.shape_cast %reduce_sum3A_22 : vector<1xf32> to vector<1x1x1xf32>
    %reduce_sum3A_24 = vector.extract %reduce_sum3A_23[0, 0, 0] : f32 from vector<1x1x1xf32>
    %gt3A = arith.constant 0.000000e+00 : f32
    %gt3A_25 = vector.broadcast %gt3A : f32 to vector<13120x128xf32>
    %gt3A_26 = arith.cmpf ogt, %convert_element_type3A, %gt3A_25 : vector<13120x128xf32>
    %convert_element_type3A_27 = arith.extui %gt3A_26 : vector<13120x128xi1> to vector<13120x128xi32>
    %convert_element_type3A_28 = arith.sitofp %convert_element_type3A_27 : vector<13120x128xi32> to vector<13120x128xf32>
    %reduce_sum3A_29 = vector.shape_cast %convert_element_type3A_28 : vector<13120x128xf32> to vector<1x13120x128xf32>
    %reduce_sum3A_30 = arith.constant dense<0.000000e+00> : vector<1xf32>
    %reduce_sum3A_31 = vector.multi_reduction <add>, %reduce_sum3A_29, %reduce_sum3A_30 [1, 2] : vector<1x13120x128xf32> to vector<1xf32>
    %reduce_sum3A_32 = vector.shape_cast %reduce_sum3A_31 : vector<1xf32> to vector<1x1x1xf32>
    %reduce_sum3A_33 = vector.extract %reduce_sum3A_32[0, 0, 0] : f32 from vector<1x1x1xf32>
    %div3A_34 = arith.divf %reduce_sum3A_24, %reduce_sum3A_33 : f32
    %broadcast_in_dim3A = vector.broadcast %div3A_34 : f32 to vector<1x1xf32>
    %swap3A = arith.constant 0 : index
    %swap3A_35 = arith.constant 0 : index
    %swap3A_36 = vector.load %arg2[%swap3A, %swap3A_35] : memref<1x1xf32, #tpu.memory_space<vmem>>, vector<1x1xf32>
    tpu.vector_store %arg2[%swap3A, %swap3A_35], %broadcast_in_dim3A {strides = array<i32>} : memref<1x1xf32, #tpu.memory_space<vmem>>, vector<1x1xf32>,
    return
  }
}

module attributes {stable_mosaic.version = 14 : i64} {
  func.func @_prep_body(%arg0: i32, %arg1: memref<256x1024xf32, #tpu.memory_space<vmem>>, %arg2: memref<256x1024xf32, #tpu.memory_space<vmem>>, %arg3: memref<262144xi32, #tpu.memory_space<vmem>>, %arg4: memref<262144xi32, #tpu.memory_space<vmem>>) attributes {dimension_semantics = [#tpu.dimension_semantics<arbitrary>], iteration_bounds = array<i64: 64>, scalar_prefetch = 0 : i64, scratch_operands = 0 : i64, tpu.core_type = #tpu.core_type<tc>, window_params = [{transform_indices = @transform_0, window_bounds = array<i64: 256, 1024>}, {transform_indices = @transform_1, window_bounds = array<i64: 256, 1024>}, {transform_indices = @transform_2, window_bounds = array<i64: 262144>}, {transform_indices = @transform_3, window_bounds = array<i64: 262144>}]} {
    %get3A = arith.constant 0 : index
    %get3A_0 = arith.constant 0 : index
    %get3A_1 = vector.load %arg1[%get3A, %get3A_0] : memref<256x1024xf32, #tpu.memory_space<vmem>>, vector<256x1024xf32>
    %get3A_2 = arith.constant 0 : index
    %get3A_3 = arith.constant 0 : index
    %get3A_4 = vector.load %arg2[%get3A_2, %get3A_3] : memref<256x1024xf32, #tpu.memory_space<vmem>>, vector<256x1024xf32>
    %sub3A = arith.subf %get3A_1, %get3A_4 : vector<256x1024xf32>
    %abs3A = math.absf %sub3A : vector<256x1024xf32>
    %log3A = math.log %get3A_1 : vector<256x1024xf32>
    %mul3A = arith.mulf %get3A_4, %log3A : vector<256x1024xf32>
    %sub3A_5 = arith.constant 1.000000e+00 : f32
    %sub3A_6 = vector.broadcast %sub3A_5 : f32 to vector<256x1024xf32>
    %sub3A_7 = arith.subf %sub3A_6, %get3A_4 : vector<256x1024xf32>
    %sub3A_8 = arith.constant 1.000000e+00 : f32
    %sub3A_9 = vector.broadcast %sub3A_8 : f32 to vector<256x1024xf32>
    %sub3A_10 = arith.subf %sub3A_9, %get3A_1 : vector<256x1024xf32>
    %log3A_11 = math.log %sub3A_10 : vector<256x1024xf32>
    %mul3A_12 = arith.mulf %sub3A_7, %log3A_11 : vector<256x1024xf32>
    %add3A = arith.addf %mul3A, %mul3A_12 : vector<256x1024xf32>
    %neg3A = arith.constant 0.000000e+00 : f32
    %neg3A_13 = vector.broadcast %neg3A : f32 to vector<256x1024xf32>
    %neg3A_14 = arith.subf %neg3A_13, %add3A : vector<256x1024xf32>
    %mul3A_15 = arith.constant 3.200000e+01 : f32
    %mul3A_16 = vector.broadcast %mul3A_15 : f32 to vector<256x1024xf32>
    %mul3A_17 = arith.mulf %neg3A_14, %mul3A_16 : vector<256x1024xf32>
    %add3A_18 = arith.constant 5.000000e-01 : f32
    %add3A_19 = vector.broadcast %add3A_18 : f32 to vector<256x1024xf32>
    %add3A_20 = arith.addf %mul3A_17, %add3A_19 : vector<256x1024xf32>
    %floor3A = math.floor %add3A_20 : vector<256x1024xf32>
    %convert_element_type3A = arith.fptosi %floor3A : vector<256x1024xf32> to vector<256x1024xi32>
    %shift_left3A = arith.constant 16 : i32
    %shift_left3A_21 = vector.broadcast %shift_left3A : i32 to vector<256x1024xi32>
    %shift_left3A_22 = arith.shli %convert_element_type3A, %shift_left3A_21 : vector<256x1024xi32>
    %or3A = arith.constant 1 : i32
    %or3A_23 = vector.broadcast %or3A : i32 to vector<256x1024xi32>
    %or3A_24 = arith.ori %shift_left3A_22, %or3A_23 : vector<256x1024xi32>
    %mul3A_25 = arith.constant 0x49CCCCC8 : f32
    %mul3A_26 = vector.broadcast %mul3A_25 : f32 to vector<256x1024xf32>
    %mul3A_27 = arith.mulf %abs3A, %mul3A_26 : vector<256x1024xf32>
    %floor3A_28 = math.floor %mul3A_27 : vector<256x1024xf32>
    %convert_element_type3A_29 = arith.fptosi %floor3A_28 : vector<256x1024xf32> to vector<256x1024xi32>
    %reshape3A = vector.shape_cast %convert_element_type3A_29 : vector<256x1024xi32> to vector<262144xi32>
    %swap3A = arith.constant 0 : index
    %swap3A_30 = vector.load %arg3[%swap3A] : memref<262144xi32, #tpu.memory_space<vmem>>, vector<262144xi32>
    tpu.vector_store %arg3[%swap3A], %reshape3A {strides = array<i32>} : memref<262144xi32, #tpu.memory_space<vmem>>, vector<262144xi32>,
    %reshape3A_31 = vector.shape_cast %or3A_24 : vector<256x1024xi32> to vector<262144xi32>
    %swap3A_32 = arith.constant 0 : index
    %swap3A_33 = vector.load %arg4[%swap3A_32] : memref<262144xi32, #tpu.memory_space<vmem>>, vector<262144xi32>
    tpu.vector_store %arg4[%swap3A_32], %reshape3A_31 {strides = array<i32>} : memref<262144xi32, #tpu.memory_space<vmem>>, vector<262144xi32>,
    return
  }
  func.func @transform_0(%arg0: i32) -> (i32, i32) {
    %c0_i32 = arith.constant 0 : i32
    %c0_i32_0 = arith.constant 0 : i32
    return %arg0, %c0_i32 : i32, i32
  }
  func.func @transform_1(%arg0: i32) -> (i32, i32) {
    %c0_i32 = arith.constant 0 : i32
    %c0_i32_0 = arith.constant 0 : i32
    return %arg0, %c0_i32 : i32, i32
  }
  func.func @transform_2(%arg0: i32) -> i32 {
    %c0_i32 = arith.constant 0 : i32
    return %arg0 : i32
  }
  func.func @transform_3(%arg0: i32) -> i32 {
    %c0_i32 = arith.constant 0 : i32
    return %arg0 : i32
  }
}

</mosaic_0001>

<sc_bundles>
// kernel: kernel.5.cloned.1.call-start
scs
__scs_entry_jumppad:
0x0: {  	(pc) =	sbr.rel $0x88, $3  }
0x1: {  	(tag) =	ssettag $0x0;
	lr =	simm.s32 $0x1  }
0x2: {  	[smem:$0x3F9F] =	sst lr;
	_ =	strace $0xD0000000  }
0x3: {  	_ = 	snop  }
0x4: {  	_ = 	snop  }
0x5: {  	_ = 	snop  }
0x6: {  	_ = 	snop  }
0x7: {  	_ = 	snop  }
__scs_overlays_trampoline_lowered:
0x8: {  	[smem:$0x3FAE] =	sst s0  }
0x9: {  	[smem:$0x3FAF] =	sst s1  }
0xa: {  	[smem:$0x3FB0] =	sst s2  }
0xb: {  	[smem:$0x3FB1] =	sst s3  }
0xc: {  	[smem:$0x3FB2] =	sst s4  }
0xd: {  	[smem:$0x3FB3] =	sst s5  }
0xe: {  	[smem:$0x3FB4] =	sst s6  }
0xf: {  	[smem:$0x3FB5] =	sst s7  }
0x10: {  	[smem:$0x3FB6] =	sst s8  }
0x11: {  	[smem:$0x3FB7] =	sst s9;
	s0 =	simm.s32 @!p0 $0x0  }
0x12: {  	s1 =	sld [smem:$0x3F9D];
	s0 =	simm.s32 @p0 $0x1  }
0x13: {  	[smem:$0x3FB8] =	sst s0;
	s0 =	simm.s32 @!p1 $0x0  }
0x14: {  	s2 =	sld [smem:$0x3F9C];
	s0 =	simm.s32 @p1 $0x1  }
0x15: {  	[smem:$0x3FB9] =	sst s0;
	s0 =	simm.s32 @!p2 $0x0  }
0x16: {  	s3 =	sld [smem:$0x3FDB];
	s0 =	simm.s32 @p2 $0x1  }
0x17: {  	s4 =	simm.s32 $0x1BF5;
	[smem:$0x3FBB] =	sst s0  }
0x18: {  	s0 =	sld [smem:$0x3F9E];
	_ =	swait.ge [sflag:s4], $0x0  }
0x19: {  	s7 =	sld [smem:$0x3F9F]  }
0x1a: {  	s8 =	sadd.s32 $0xFFFFE003, lr  }
0x1b: {  	s9 =	sadd.s32 $0xFFFFFEF7, lr;
	s5 =	simm.s32 $0xFFFFFFFF;
	p2 =	slt.u32 s8, $0xFFFFF086  }
0x1c: {  	p1 =	slt.u32 s9, $0xF7A;
	s5 =	simm.s32 @!p2 $0x0  }
0x1d: {  	s5 =	simm.s32 @p1 $0x1;
	p0 =	seq.s32 s7, s2  }
0x1e: {  	s7 =	smul.u32 @!p0 $0xF7A, s2;
	p2 =	seq.s32 @!p0 s5, $0x0  }
0x1f: {  	s9 =	smul.u32 $0xF7A, s1;
	s8 =	simm.s32 @!p0 $0x1BF5;
	p2 =	por !p2, p0  }
0x20: {  	[sflag:s8] =	ssyncset.s32 @!p0 $0xFFFFF086;
	s6 =	sadd.s32 @!p0 s3, s7;
	s7 =	simm.s32 @!p0 $0x108  }
0x21: {  	s3 =	sadd.s32 s3, s9;
	s6 =	sadd.s32 @!p0 $0x88, s6;
	s7 =	simm.s32 @p2 $0x1082  }
0x22: {  	[simem:s7], [sflag:s8] =	dma.local @!p0 [hbm:s6], $0xF7A  }
0x23: {  	s9 =	sor.u32 $0xD0000000, s2;
	s6 =	simm.s32 $0x108;
	_ =	swait.ge @!p0 [sflag:s8], $0x0  }
0x24: {  	s3 =	sadd.s32 $0x88, s3;
	s6 =	simm.s32 @!p1 $0x1082;
	[sflag:s4] =	ssyncset.s32 $0xFFFFF086  }
0x25: {  	[simem:s6], [sflag:s4] =	dma.local [hbm:s3], $0xF7A  }
0x26: {  	[smem:$0x3F9F] =	sst s1;
	(tag) =	ssettag s2;
	_ =	strace s9  }
0x27: {  	s1 =	sld [smem:$0x3FAF]  }
0x28: {  	s2 =	sld [smem:$0x3FB0]  }
0x29: {  	s4 =	sld [smem:$0x3FB2]  }
0x2a: {  	p0 =	seq.s32 s5, $0x0;
	s5 =	sld [smem:$0x3FB3]  }
0x2b: {  	s6 =	sld [smem:$0x3FB4]  }
0x2c: {  	s7 =	sld [smem:$0x3FB5]  }
0x2d: {  	s3 =	simm.s32 $0x108;
	s8 =	sld [smem:$0x3FB6]  }
0x2e: {  	s3 =	simm.s32 @!p0 $0x1082;
	s9 =	sld [smem:$0x3FB7]  }
0x2f: {  	lr =	sadd.s32 s0, s3;
	s0 =	sld [smem:$0x3FAE]  }
0x30: {  	s3 =	sld [smem:$0x3FB1]  }
0x31: {  	[smem:$0x3FBA] =	sst s10  }
0x32: {  	s10 =	sld [smem:$0x3FB8];
	_ =	sdelay $0x3  }
0x33: {  	p0 =	seq.s32 s10, $0x1;
	s10 =	sld [smem:$0x3FBA];
	_ =	sdelay $0x3  }
0x34: {  	[smem:$0x3FBA] =	sst s10  }
0x35: {  	s10 =	sld [smem:$0x3FB9];
	_ =	sdelay $0x3  }
0x36: {  	p1 =	seq.s32 s10, $0x1;
	s10 =	sld [smem:$0x3FBA];
	_ =	sdelay $0x3  }
0x37: {  	[smem:$0x3FBA] =	sst s10  }
0x38: {  	s10 =	sld [smem:$0x3FBB]  }
0x39: {  	_ = 	snop;
	(pc) =	sbr.ind lr, $3  }
0x3a: {  	_ = 	snop  }
0x3b: {  	_ = 	snop  }
0x3c: {  	p2 =	seq.s32 s10, $0x1;
	s10 =	sld [smem:$0x3FBA]  }
0x3d: {  	_ =	shalt  }
0x3e: {  	_ =	shalt  }
0x3f: {  	_ =	shalt  }
0x40: {  	_ =	shalt  }
0x41: {  	_ =	shalt  }
0x42: {  	_ =	shalt  }
0x43: {  	_ =	shalt  }
0x44: {  	_ =	shalt  }
0x45: {  	_ =	shalt  }
0x46: {  	_ =	shalt  }
0x47: {  	_ =	shalt  }
0x48: {  	_ =	shalt  }
0x49: {  	_ =	shalt  }
0x4a: {  	_ =	shalt  }
0x4b: {  	_ =	shalt  }
0x4c: {  	_ =	shalt  }
0x4d: {  	_ =	shalt  }
0x4e: {  	_ =	shalt  }
0x4f: {  	_ =	shalt  }
0x50: {  	_ =	shalt  }
0x51: {  	_ =	shalt  }
0x52: {  	_ =	shalt  }
0x53: {  	_ =	shalt  }
0x54: {  	_ =	shalt  }
0x55: {  	_ =	shalt  }
0x56: {  	_ =	shalt  }
0x57: {  	_ =	shalt  }
0x58: {  	_ =	shalt  }
0x59: {  	_ =	shalt  }
0x5a: {  	_ =	shalt  }
0x5b: {  	_ =	shalt  }
0x5c: {  	_ =	shalt  }
0x5d: {  	_ =	shalt  }
0x5e: {  	_ =	shalt  }
0x5f: {  	_ =	shalt  }
0x60: {  	_ =	shalt  }
0x61: {  	_ =	shalt  }
0x62: {  	_ =	shalt  }
0x63: {  	_ =	shalt  }
0x64: {  	_ =	shalt  }
0x65: {  	_ =	shalt  }
0x66: {  	_ =	shalt  }
0x67: {  	_ =	shalt  }
0x68: {  	_ =	shalt  }
0x69: {  	_ =	shalt  }
0x6a: {  	_ =	shalt  }
0x6b: {  	_ =	shalt  }
0x6c: {  	_ =	shalt  }
0x6d: {  	_ =	shalt  }
0x6e: {  	_ =	shalt  }
0x6f: {  	_ =	shalt  }
0x70: {  	_ =	shalt  }
0x71: {  	_ =	shalt  }
0x72: {  	_ =	shalt  }
0x73: {  	_ =	shalt  }
0x74: {  	_ =	shalt  }
0x75: {  	_ =	shalt  }
0x76: {  	_ =	shalt  }
0x77: {  	_ =	shalt  }
0x78: {  	_ =	shalt  }
0x79: {  	_ =	shalt  }
0x7a: {  	_ =	shalt  }
0x7b: {  	_ =	shalt  }
0x7c: {  	_ =	shalt  }
0x7d: {  	_ =	shalt  }
0x7e: {  	_ =	shalt  }
0x7f: {  	_ =	shalt  }
0x80: {  	_ =	shalt  }
0x81: {  	_ =	shalt  }
0x82: {  	_ =	shalt  }
0x83: {  	_ =	shalt  }
0x84: {  	_ =	shalt  }
0x85: {  	_ =	shalt  }
0x86: {  	_ =	shalt  }
0x87: {  	_ =	shalt  }
.Lfunc_end0:
.L_simem_size_0:
called_computation_lowered:
.L_overlay_start_0:
0x88: {  	s2 =	sld [smem:$0x3FD9]  }
0x89: {  	s3 =	sld [smem:$0x3FFE];
	_ =	sdelay $0x1  }
0x8a: {  	s1 =	srdreg.scid  }
0x8b: {  	s0 =	sand.u32 $0x1, s1  }
0x8c: {  	s16 =	sshll.u32 s0, $0xA;
	s2 =	sadd.s32 s3, s2  }
0x8d: {  	s2 =	sadd.s32 s2, s16  }
0x8e: {  	[smem:$0x3FC6] =	sst s2  }
0x8f: {  	_ = 	snop  }
0x90: {  	(tm) =	ssettm $0x1  }
0x91: {  	s17 =	sld [smem:$0x3FFB];
	_ =	sdelay $0x3  }
0x92: {  	_ =	strace s17  }
0x93: {  	s2 =	sld [smem:$0x3FFC];
	_ =	sdelay $0x3  }
0x94: {  	_ =	strace s2  }
0x95: {  	s2 =	sld [smem:$0x3FFD];
	_ =	sdelay $0x3  }
0x96: {  	_ =	strace s2  }
0x97: {  	_ =	strace $0x8FFFFFFF  }
0x98: {  	s18 =	sld [smem:$0x3FDB];
	_ =	sdelay $0x1  }
0x99: {  	s19 =	simm.s32 $_scs_section_size  }
0x9a: {  	s4 =	simm.s32 $_size__tile_overlayer_lowered;
	s5 =	simm.s32 $_tile_overlayer_lowered  }
0x9b: {  	s22 =	simm.s32 $0x1BFF;
	s21 =	sshll.u32 s5, $0x1;
	s2 =	sadd.s32 s19, s18  }
0x9c: {  	s6 =	simm.s32 $0x0;
	s20 =	sshll.u32 s4, $0x1;
	s4 =	sadd.s32 s21, s2  }
0x9d: {  	[timem:s6], [sflag:s22] =	dma.local [hbm:s4], s20  }
0x9e: {  	_ =	swait.ge [sflag:s22], s20  }
0x9f: {  	s3 =	ssub.s32 $0x0, s20;
	[sflag:s22] =	ssyncset.done $0x0  }
0xa0: {  	[sflag:s22] =	ssyncadd.s32 s3;
	_ =	sdelay $0x1  }
0xa1: {  	s23 =	simm.s32 $0x1B8B  }
0xa2: {  	_ =	swait.ge [sflag:s23], $0x1  }
0xa3: {  	[sflag:s23] =	ssyncset.done $0x0  }
0xa4: {  	s25 =	simm.s32 $0x1B8E;
	s24 =	sld [smem:$0x3FFE];
	[sflag:s23] =	ssyncadd.s32 $0xFFFFFFFF  }
0xa5: {  	s26 =	simm.s32 $execute0_lowered;
	[smem:$0x3FD2] =	sst s25  }
0xa6: {  	s4 =	sshll.u32 s26, $0x1;
	_ =	strace $0x80000046;
	[dreg:$0x1] =	wrdreg $0xFFFFFFFF  }
0xa7: {  	s28 =	simm.s32 $_size_execute0_lowered;
	s2 =	sadd.s32 s2, s4;
	[dreg:$0x0] =	wrdreg $0x0  }
0xa8: {  	s4 =	sshll.u32 s28, $0x1;
	[dreg:$0x2] =	wrdreg s2  }
0xa9: {  	[dreg:$0x3] =	wrdreg s4  }
0xaa: {  	[dreg:$0x4] =	wrdreg $0xC0  }
0xab: {  	_ =	task [dreg:s6], $0x5FFFF  }
0xac: {  	[dreg:$0x1] =	wrdreg $0xFFFFFFFF  }
0xad: {  	[dreg:$0x0] =	wrdreg $0x60  }
0xae: {  	[dreg:$0x2] =	wrdreg s24  }
0xaf: {  	[dreg:$0x3] =	wrdreg $0x40000  }
0xb0: {  	[dreg:$0x4] =	wrdreg $0x9  }
0xb1: {  	_ =	task.clear_ibuf [dreg:s6], $0x5FFFF;
	_ =	strace $0x90000046  }
0xb2: {  	s29 =	simm.s32 $0x9;
	_ =	strace $0x80000048  }
0xb3: {  	_ =	swait.ge [sflag:s29], $0x1  }
0xb4: {  	[sflag:s29] =	ssyncadd.s32 $0xFFFFFFFF  }
0xb5: {  	_ =	strace $0x90000048  }
0xb6: {  	_ =	sfence  }
0xb7: {  	s30 =	sld [smem:$0x0];
	_ =	sdelay $0x2  }
0xb8: {  	s31 =	sshll.u32 s1, $0xD;
	s1 =	sshrl.u32 s1, $0x2  }
0xb9: {  	s3 =	sand.u32 $0x4000, s31;
	s1 =	sadd.s32 s1, s30  }
0xba: {  	s0 =	sor.u32 s3, s0;
	s1 =	sshll.u32 s1, $0x11  }
0xbb: {  	s0 =	sor.u32 s1, s0  }
0xbc: {  	s0 =	sadd.s32 $0x8F2B, s0  }
0xbd: {  	[sflag:s0] =	ssyncadd.remote.s32 $0x1  }
0xbe: {  	_ =	sfence.sel $0xFFFF  }
0xbf: {  	[dreg:$0x0] =	wrdreg $0xFFFFFFFF;
	(pc) =	sbr.abs _section_cstart, $3  }
0xc0: {  	[dreg:$0x1] =	wrdreg $0xFFFFFFFF  }
0xc1: {  	_ =	task.clear_ibuf [dreg:s6], $0x2FFFF;
	_ =	strace $0x9FFFFFFF  }
0xc2: {  	(tm) =	ssettm $0x7FFFFFFF  }
0xc3: {  	_ =	shalt  }
tec
execute0_lowered:
.L_overlay_start_1:
0x0: {  	(tag) =	ssettag $0x1  }
0x1: {  	s4 =	rddreg [dreg:$0x0]  }
0x2: {  	s2 =	rddreg [dreg:$0x1]  }
0x3: {  	s0 =	rddreg [dreg:$0x2]  }
0x4: {  	s3 =	simm.s32 $0x0;
	s1 =	stileid.u32;
	s6 =	srdreg.scid  }
0x5: {  	s19 =	simm.s32 $0x1000;
	s20 =	simm.s32 $0x3000;
	s21 =	simm.s32 $0x1  }
0x6: {  	s22 =	simm.s32 $0x2;
	s23 =	simm.s32 $0x0;
	[smem:$0x7FF] =	sst s3  }
0x7: {  	s5 =	smul.u32 $0x19A00, s1;
	s15 =	sadd.s32 $0xE00, s4;
	s10 =	sand.u32 $0x1, s6  }
0x8: {  	s14 =	sadd.s32 $0x200E00, s4;
	s8 =	sshll.u32 s1, $0x13;
	s31 =	sshll.u32 s1, $0x6  }
0x9: {  	_ =	strace $0x80000047;
	s28 =	ssub.s32 $0x2, s10;
	s30 =	sshll.u32 s10, $0x17  }
0xa: {  	p0 =	seq.s32 s10, $0x1;
	s7 =	sshrl.u32 s5, $0x3;
	s29 =	sshrl.u32 s28, $0x1  }
0xb: {  	s16 =	sadd.s32 s5, s2;
	s13 =	sor.u32 s8, s30;
	s5 =	sor.u32 $0x1C03, s31  }
0xc: {  	s11 =	sadd.s32 s7, s4;
	s12 =	ssub.s32 s28, s29;
	s7 =	sshrl.u32 s13, $0x3  }
0xd: {  	s17 =	sor.u32 $0x3000, s13;
	s13 =	sor.u32 $0x2000, s13;
	s16 =	sshrl.u32 s16, $0x3  }
0xe: {  	s4 =	sadd.s32 $0x400E00, s11;
	s6 =	sadd.s32 s15, s7;
	s9 =	sor.u32 $0x200, s7  }
0xf: {  	s7 =	sadd.s32 s14, s7;
	s10 =	smax.u32 s12, $0x1;
	s12 =	simm.s32 $0x467600  }
0x10: {  	s17 =	sshrl.u32 s17, $0x3;
	s18 =	sshrl.u32 s13, $0x3;
	s8 =	sadd.s32 s15, s9  }
0x11: {  	s9 =	sadd.s32 s14, s9;
	s12 =	simm.s32 @!p0 $0x434200;
	s13 =	sadd.s32 s17, s15  }
0x12: {  	s15 =	sadd.s32 s18, s15;
	s11 =	sadd.s32 s12, s11;
	s12 =	sadd.s32 s17, s14  }
0x13: {  	s14 =	sadd.s32 s18, s14;
	s17 =	simm.s32 $0x3;
	s18 =	simm.s32 $0x2000  }
.LBB2_1:
0x14: {  	[spmem:s16], [sflag:s5] =	dma.local [hbm:s4], $0x3340  }
0x15: {  	_ =	swait.ge [sflag:s17], $0x3340  }
0x16: {  	[sflag:s17] =	ssyncset.done $0x0  }
0x17: {  	[sflag:s17] =	ssyncadd.s32 $0xFFFFCCC0  }
0x18: {  	[bflag:$0x0] =	sbarrier.arrive $0xFFFF  }
0x19: {  	[tilespmem:s3], [sflag:$0x1] =	stream.linear.gather [hbm4b:s6+s3], $0x1000, $0x38;
	[tilespmem:$0x1DA00] =	vst v63  }
0x1a: {  	_ = 	snop  }
0x1b: {  	[tilespmem:s18], [sflag:$0x1] =	stream.linear.gather [hbm4b:s7+s3], $0x1000, $0x38;
	[tilespmem:$0x1DA00] =	vst v63  }
0x1c: {  	_ = 	snop  }
0x1d: {  	[tilespmem:s19], [sflag:$0x2] =	stream.linear.gather [hbm4b:s8+s3], $0x1000, $0x38;
	[tilespmem:$0x1DA00] =	vst v63  }
0x1e: {  	_ = 	snop  }
0x1f: {  	[tilespmem:s20], [sflag:$0x2] =	stream.linear.gather [hbm4b:s9+s3], $0x1000, $0x38;
	[tilespmem:$0x1DA00] =	vst v63  }
0x20: {  	_ =	swait.ge [sflag:s21], $0x1000  }
0x21: {  	[sflag:s21] =	ssyncset.done $0x0  }
0x22: {  	[sflag:s21] =	ssyncadd.s32 $0xFFFFF000  }
0x23: {  	_ =	swait.ge [sflag:s21], $0x1000  }
0x24: {  	[sflag:s21] =	ssyncset.done $0x0  }
0x25: {  	[sflag:s21] =	ssyncadd.s32 $0xFFFFF000  }
0x26: {  	[spmem:s2] =	stream.indirect.scatter.add.s32 [tilespmem:s18], [sflag:$0x3], $0x1, s3, s19, $0xb8;
	[tilespmem:$0x1DA00] =	vst v63  }
0x27: {  	_ =	swait.ge [sflag:s17], $0x1000  }
0x28: {  	[sflag:s17] =	ssyncset.done $0x0  }
0x29: {  	s24 =	sadd.s32 $0x0, s15;
	[sflag:s17] =	ssyncadd.s32 $0xFFFFF000  }
0x2a: {  	[tilespmem:s3], [sflag:$0x1] =	stream.linear.gather [hbm4b:s24+s3], $0x1000, $0x38;
	[tilespmem:$0x1DA00] =	vst v63  }
0x2b: {  	s30 =	sadd.s32 $0x0, s14  }
0x2c: {  	[tilespmem:s18], [sflag:$0x1] =	stream.linear.gather [hbm4b:s30+s3], $0x1000, $0x38;
	[tilespmem:$0x1DA00] =	vst v63  }
0x2d: {  	_ =	swait.ge [sflag:s22], $0x1000  }
0x2e: {  	[sflag:s22] =	ssyncset.done $0x0  }
0x2f: {  	[sflag:s22] =	ssyncadd.s32 $0xFFFFF000  }
0x30: {  	_ =	swait.ge [sflag:s22], $0x1000  }
0x31: {  	[sflag:s22] =	ssyncset.done $0x0  }
0x32: {  	[sflag:s22] =	ssyncadd.s32 $0xFFFFF000  }
0x33: {  	[spmem:s2] =	stream.indirect.scatter.add.s32 [tilespmem:s20], [sflag:$0x3], $0x1, s19, s19, $0xb8;
	[tilespmem:$0x1DA00] =	vst v63  }
0x34: {  	_ =	swait.ge [sflag:s17], $0x1000  }
0x35: {  	s31 =	sadd.s32 $0x0, s13;
	[sflag:s17] =	ssyncset.done $0x0  }
0x36: {  	s25 =	sadd.s32 $0x0, s12;
	s24 =	simm.s32 $0x400;
	[sflag:s17] =	ssyncadd.s32 $0xFFFFF000  }
0x37: {  	[tilespmem:s19], [sflag:$0x2] =	stream.linear.gather [hbm4b:s31+s3], $0x1000, $0x38;
	[tilespmem:$0x1DA00] =	vst v63  }
.LBB2_2:
0x38: {  	[tilespmem:s20], [sflag:$0x2] =	stream.linear.gather [hbm4b:s25+s3], $0x1000, $0x38;
	[tilespmem:$0x1DA00] =	vst v63  }
0x39: {  	s25 =	smov.u32 s24  }
0x3a: {  	p0 =	sne.s32 s24, $0xF800;
	s24 =	sadd.s32 $0x400, s24;
	_ =	swait.ge [sflag:s21], $0x1000  }
0x3b: {  	[sflag:s21] =	ssyncset.done $0x0  }
0x3c: {  	[sflag:s21] =	ssyncadd.s32 $0xFFFFF000  }
0x3d: {  	_ =	swait.ge [sflag:s21], $0x1000  }
0x3e: {  	[sflag:s21] =	ssyncset.done $0x0  }
0x3f: {  	[sflag:s21] =	ssyncadd.s32 $0xFFFFF000  }
0x40: {  	[spmem:s2] =	stream.indirect.scatter.add.s32 [tilespmem:s18], [sflag:$0x3], $0x1, s3, s19, $0xb8;
	[tilespmem:$0x1DA00] =	vst v63  }
0x41: {  	_ =	swait.ge [sflag:s17], $0x1000  }
0x42: {  	[sflag:s17] =	ssyncset.done $0x0  }
0x43: {  	s26 =	sadd.s32 s25, s15;
	[sflag:s17] =	ssyncadd.s32 $0xFFFFF000  }
0x44: {  	[tilespmem:s3], [sflag:$0x1] =	stream.linear.gather [hbm4b:s26+s3], $0x1000, $0x38;
	[tilespmem:$0x1DA00] =	vst v63  }
0x45: {  	s26 =	sadd.s32 s25, s14  }
0x46: {  	[tilespmem:s18], [sflag:$0x1] =	stream.linear.gather [hbm4b:s26+s3], $0x1000, $0x38;
	[tilespmem:$0x1DA00] =	vst v63  }
0x47: {  	_ =	swait.ge [sflag:s22], $0x1000  }
0x48: {  	[sflag:s22] =	ssyncset.done $0x0  }
0x49: {  	[sflag:s22] =	ssyncadd.s32 $0xFFFFF000  }
0x4a: {  	_ =	swait.ge [sflag:s22], $0x1000  }
0x4b: {  	[sflag:s22] =	ssyncset.done $0x0  }
0x4c: {  	[sflag:s22] =	ssyncadd.s32 $0xFFFFF000  }
0x4d: {  	[spmem:s2] =	stream.indirect.scatter.add.s32 [tilespmem:s20], [sflag:$0x3], $0x1, s19, s19, $0xb8;
	[tilespmem:$0x1DA00] =	vst v63  }
.Ltmp0:
0x4e: {  	_ =	swait.ge [sflag:s17], $0x1000;
	(pc) =	sbr.rel @p0 .LBB2_2-.Ltmp0, $4  }
0x4f: {  	[sflag:s17] =	ssyncset.done $0x0  }
0x50: {  	s26 =	sadd.s32 s25, s13;
	[sflag:s17] =	ssyncadd.s32 $0xFFFFF000  }
0x51: {  	[tilespmem:s19], [sflag:$0x2] =	stream.linear.gather [hbm4b:s26+s3], $0x1000, $0x38;
	[tilespmem:$0x1DA00] =	vst v63  }
0x52: {  	s25 =	sadd.s32 s25, s12  }
0x53: {  	[tilespmem:s20], [sflag:$0x2] =	stream.linear.gather [hbm4b:s25+s3], $0x1000, $0x38;
	[tilespmem:$0x1DA00] =	vst v63  }
0x54: {  	_ =	swait.ge [sflag:s21], $0x1000  }
0x55: {  	[sflag:s21] =	ssyncset.done $0x0  }
0x56: {  	[sflag:s21] =	ssyncadd.s32 $0xFFFFF000  }
0x57: {  	_ =	swait.ge [sflag:s21], $0x1000  }
0x58: {  	[sflag:s21] =	ssyncset.done $0x0  }
0x59: {  	[sflag:s21] =	ssyncadd.s32 $0xFFFFF000  }
0x5a: {  	[spmem:s2] =	stream.indirect.scatter.add.s32 [tilespmem:s18], [sflag:$0x3], $0x1, s3, s19, $0xb8;
	[tilespmem:$0x1DA00] =	vst v63  }
0x5b: {  	_ =	swait.ge [sflag:s17], $0x1000  }
0x5c: {  	[sflag:s17] =	ssyncset.done $0x0  }
0x5d: {  	[sflag:s17] =	ssyncadd.s32 $0xFFFFF000  }
0x5e: {  	_ =	swait.ge [sflag:s22], $0x1000  }
0x5f: {  	[sflag:s22] =	ssyncset.done $0x0  }
0x60: {  	[sflag:s22] =	ssyncadd.s32 $0xFFFFF000  }
0x61: {  	_ =	swait.ge [sflag:s22], $0x1000  }
0x62: {  	[sflag:s22] =	ssyncset.done $0x0  }
0x63: {  	[sflag:s22] =	ssyncadd.s32 $0xFFFFF000  }
0x64: {  	[spmem:s2] =	stream.indirect.scatter.add.s32 [tilespmem:s20], [sflag:$0x3], $0x1, s19, s19, $0xb8;
	[tilespmem:$0x1DA00] =	vst v63  }
0x65: {  	_ =	swait.ge [sflag:s17], $0x1000  }
0x66: {  	s23 =	sadd.s32 $0x1, s23;
	[sflag:s17] =	ssyncset.done $0x0  }
0x67: {  	p0 =	sne.s32 s23, s10;
	[sflag:s17] =	ssyncadd.s32 $0xFFFFF000  }
.Ltmp1:
0x68: {  	[bflag:$0x0] =	sbarrier.arrive $0xFFFF;
	(pc) =	sbr.rel @p0 .LBB2_1-.Ltmp1, $4  }
0x69: {  	[hbm:s11], [sflag:s5] =	dma.local [spmem:s16], $0x3340  }
0x6a: {  	_ =	swait.ge [sflag:s17], $0x3340  }
0x6b: {  	[sflag:s17] =	ssyncset.done $0x0  }
0x6c: {  	[sflag:s17] =	ssyncadd.s32 $0xFFFFCCC0  }
0x6d: {  	_ =	sfence.sel $0x180000  }
0x6e: {  	[bflag:$0x0] =	sbarrier.arrive $0xFFFF  }
0x6f: {  	p0 =	sne.s32 s1, $0x0;
	_ =	strace $0x90000047  }
0x70: {  	s0 =	sadd.s32 @!p0 $0x100000, s0;
	[bflag:$0x2] =	sbarrier.arrive $0xFFFF  }
0x71: {  	[sflag:s0] =	ssyncadd.tile.s32 @!p0 $0x1;
	_ =	shalt  }
.Lfunc_end2:
_tile_overlayer_lowered:
.L_overlay_start_2:
0x72: {  	(tag) =	ssettag $0x2  }
0x73: {  	s0 =	rddreg [dreg:$0x0];
	s2 =	stileid.u32  }
0x74: {  	s1 =	rddreg [dreg:$0x1];
	p0 =	sne.s32 s2, $0x0  }
0x75: {  	s3 =	rddreg [dreg:$0x2];
	[bflag:$0x3] =	sbarrier.arrive $0xFFFF;
	s2 =	simm.s32 @!p0 $0x1C03  }
0x76: {  	[timem:s3], [sflag:s2] =	dma.local @!p0 [hbm:s0], s1  }
0x77: {  	s0 =	simm.s32 @!p0 $0x3  }
0x78: {  	_ =	swait.ge @!p0 [sflag:s0], s1  }
0x79: {  	s1 =	ssub.s32 @!p0 $0x0, s1;
	[sflag:s0] =	ssyncset.done @!p0 $0x0  }
0x7a: {  	[sflag:s0] =	ssyncadd.s32 @!p0 s1  }
0x7b: {  	[bflag:$0x3] =	sbarrier.arrive $0xFFFF  }
0x7c: {  	_ =	shalt  }

</sc_bundles>
